<compile_context>
chip_gen: v7x
topology: tpu7x:2x2x1
jax: 0.10.2.dev20260603
libtpu: 0.0.44.dev20260713+nightly
codegen_flags: <defaults>
</compile_context>

<pallas_src>
import functools

import jax
import jax.numpy as jnp
from jax import lax
from jax.experimental import pallas as pl
from jax.experimental.pallas import tpu as pltpu
from jax.experimental.pallas import tpu_sc as plsc

_B = 16384
_D = 128
_NSTAGE = 1000
_NC = 2
_NS = 16
_NW = _NC * _NS
_BPW = _B // _NW
_CHUNK = 128
_NCHUNK = _BPW // _CHUNK
_TROWS = 64


def _make_gather():
    mesh = plsc.VectorSubcoreMesh(core_axis_name="c", subcore_axis_name="s")

    @functools.partial(
        pl.kernel,
        mesh=mesh,
        out_type=jax.ShapeDtypeStruct((_B, _D), jnp.float32),
        scratch_types=[
            pltpu.VMEM_SHARED((_NSTAGE, _D), jnp.float32),
            pltpu.VMEM((_NCHUNK, _CHUNK), jnp.int32),
            pltpu.VMEM((_BPW, _D), jnp.float32),
        ]
        + [pltpu.SemaphoreType.DMA] * _NCHUNK
        + [pltpu.SemaphoreType.DMA]
        + [pltpu.SemaphoreType.DMA],
    )
    def gather_kernel(table_hbm, idx_hbm, out_hbm, tab_sp, idx_v, rows_v, *sems):
        gsems, st_sem, stage_sem = sems[:_NCHUNK], sems[_NCHUNK], sems[_NCHUNK + 1]
        sid = lax.axis_index("s")
        wid = sid * _NC + lax.axis_index("c")
        base = wid * _BPW
        r0 = jnp.minimum(sid * _TROWS, _NSTAGE - _TROWS)
        stage = pltpu.async_copy(
            table_hbm.at[pl.ds(r0, _TROWS)], tab_sp.at[pl.ds(r0, _TROWS)], stage_sem
        )
        pltpu.sync_copy(idx_hbm.at[pl.ds(wid * _NCHUNK, _NCHUNK)], idx_v)
        stage.wait()
        plsc.subcore_barrier()
        gathers = []
        for j in range(_NCHUNK):
            gathers.append(
                pltpu.async_copy(
                    tab_sp.at[idx_v.at[j]],
                    rows_v.at[pl.ds(j * _CHUNK, _CHUNK)],
                    gsems[j],
                )
            )
        stores = []
        for j in range(_NCHUNK):
            gathers[j].wait()
            stores.append(
                pltpu.async_copy(
                    rows_v.at[pl.ds(j * _CHUNK, _CHUNK)],
                    out_hbm.at[pl.ds(base + j * _CHUNK, _CHUNK)],
                    st_sem,
                )
            )
        for s in stores:
            s.wait()

    return gather_kernel


_gather = _make_gather()


@jax.jit
def kernel(labels, emb_table):
    idx = labels.astype(jnp.int32).reshape(_NW * _NCHUNK, _CHUNK)
    return _gather(emb_table, idx)

# --- scband reference (transcript-rebuilt; emitter-appended) ---
"""Pipeline reference for scband-cond-label-embedding-25649544691889 (READ-ONLY COPY).

The authoritative reference and input builder live on the scoring server;
editing this copy changes nothing except your own understanding.
"""

import jax, jax.numpy as jnp
import numpy as np

NUM_CLASSES = 1000
HIDDEN_SIZE = 128
BATCH = 16384

def setup_inputs(seed: int = 0) -> dict:
    key = jax.random.key(seed)
    k1, k2 = jax.random.split(key)
    labels = jax.random.randint(k1, (BATCH,), 0, NUM_CLASSES, dtype=jnp.int64 if jax.config.jax_enable_x64 else jnp.int32)
    # embedding table: (num_classes + 1, hidden_size); last row is the no-cond embedding
    emb_table = jax.random.normal(k2, (NUM_CLASSES + 1, HIDDEN_SIZE), dtype=jnp.float32)
    return {"labels": labels, "emb_table": emb_table}

def reference(labels, emb_table):
    # Eval-mode forward of CondLabelEmbedding: no label dropout, plain embedding lookup.
    return jnp.take(emb_table, labels, axis=0)

if __name__ == "__main__":
    import jax
    _d = setup_inputs()
    print(jax.jit(kernel)(*tuple(_d.values())))

</pallas_src>

<mosaic_0001>
#map = affine_map<(d0, d1) -> (0, 0)>
module attributes {stable_mosaic.version = 14 : i64} {
  func.func @gather_kernel(%arg0: i32, %arg1: i32, %arg2: memref<1001x128xf32, #tpu.memory_space<hbm>>, %arg3: memref<128x128xi32, #tpu.memory_space<hbm>>, %arg4: memref<16384x128xf32, #tpu.memory_space<hbm>>, %arg5: memref<1000x128xf32, #tpu.memory_space<vmem_shared>>, %arg6: memref<4x128xi32, #tpu.memory_space<vmem>>, %arg7: memref<512x128xf32, #tpu.memory_space<vmem>>, %arg8: memref<!tpu.dma_semaphore, #tpu.memory_space<semaphore_mem>>, %arg9: memref<!tpu.dma_semaphore, #tpu.memory_space<semaphore_mem>>, %arg10: memref<!tpu.dma_semaphore, #tpu.memory_space<semaphore_mem>>, %arg11: memref<!tpu.dma_semaphore, #tpu.memory_space<semaphore_mem>>, %arg12: memref<!tpu.dma_semaphore, #tpu.memory_space<semaphore_mem>>, %arg13: memref<!tpu.dma_semaphore, #tpu.memory_space<semaphore_mem>>) attributes {dimension_semantics = [#tpu.dimension_semantics<core_parallel>, #tpu.dimension_semantics<subcore_parallel>], iteration_bounds = array<i64: 2, 16>, scalar_prefetch = 0 : i64, scratch_operands = 9 : i64, tpu.core_type = #tpu.core_type<sc_vector_subcore>, window_params = [{transform_indices = #map}, {transform_indices = #map}, {transform_indices = #map}]} {
    %mul3A = arith.constant 2 : i32
    %mul3A_0 = arith.muli %arg1, %mul3A : i32
    %add3A = arith.addi %mul3A_0, %arg0 : i32
    %mul3A_1 = arith.constant 512 : i32
    %mul3A_2 = arith.muli %add3A, %mul3A_1 : i32
    %mul3A_3 = arith.constant 64 : i32
    %mul3A_4 = arith.muli %arg1, %mul3A_3 : i32
    %min3A = arith.constant 936 : i32
    %min3A_5 = arith.minsi %mul3A_4, %min3A : i32
    %dma_start3A = arith.constant 0 : i32
    %dma_start3A_6 = tpu.memref_slice %arg5[%min3A_5, %dma_start3A] : memref<1000x128xf32, #tpu.memory_space<vmem_shared>> -> memref<64x128xf32, #tpu.memory_space<vmem_shared>>
    %dma_start3A_7 = arith.constant 0 : i32
    %dma_start3A_8 = tpu.memref_slice %arg2[%min3A_5, %dma_start3A_7] : memref<1001x128xf32, #tpu.memory_space<hbm>> -> memref<64x128xf32, #tpu.memory_space<hbm>>
    tpu.enqueue_dma source(%dma_start3A_8 : memref<64x128xf32, #tpu.memory_space<hbm>>) target(%dma_start3A_6 : memref<64x128xf32, #tpu.memory_space<vmem_shared>>) target_semaphore(%arg13 : memref<!tpu.dma_semaphore, #tpu.memory_space<semaphore_mem>>)
    %mul3A_9 = arith.constant 4 : i32
    %mul3A_10 = arith.muli %add3A, %mul3A_9 : i32
    "tpu.region"() ({
      %run_scoped3A = tpu.sem_alloc : memref<!tpu.dma_semaphore, #tpu.memory_space<semaphore_mem>>
      %dma_start3A_182 = arith.constant 0 : i32
      %dma_start3A_183 = tpu.memref_slice %arg3[%mul3A_10, %dma_start3A_182] : memref<128x128xi32, #tpu.memory_space<hbm>> -> memref<4x128xi32, #tpu.memory_space<hbm>>
      %dma_start3A_184 = arith.constant 0 : i32
      %dma_start3A_185 = tpu.memref_slice %arg3[%mul3A_10, %dma_start3A_184] : memref<128x128xi32, #tpu.memory_space<hbm>> -> memref<4x128xi32, #tpu.memory_space<hbm>>
      tpu.enqueue_dma source(%dma_start3A_185 : memref<4x128xi32, #tpu.memory_space<hbm>>) target(%arg6 : memref<4x128xi32, #tpu.memory_space<vmem>>) target_semaphore(%run_scoped3A : memref<!tpu.dma_semaphore, #tpu.memory_space<semaphore_mem>>)
      %dma_wait3A_186 = arith.constant 0 : i32
      %dma_wait3A_187 = tpu.memref_slice %arg3[%mul3A_10, %dma_wait3A_186] : memref<128x128xi32, #tpu.memory_space<hbm>> -> memref<4x128xi32, #tpu.memory_space<hbm>>
      %dma_wait3A_188 = arith.constant 0 : i32
      %dma_wait3A_189 = tpu.memref_slice %arg3[%mul3A_10, %dma_wait3A_188] : memref<128x128xi32, #tpu.memory_space<hbm>> -> memref<4x128xi32, #tpu.memory_space<hbm>>
      tpu.wait_dma2 semaphore(%run_scoped3A : memref<!tpu.dma_semaphore, #tpu.memory_space<semaphore_mem>>) src(%dma_wait3A_189 : memref<4x128xi32, #tpu.memory_space<hbm>>) dst(%arg6 : memref<4x128xi32, #tpu.memory_space<vmem>>)
      tpu.yield
    }) : () -> ()
    %dma_wait3A = arith.constant 0 : i32
    %dma_wait3A_11 = tpu.memref_slice %arg5[%min3A_5, %dma_wait3A] : memref<1000x128xf32, #tpu.memory_space<vmem_shared>> -> memref<64x128xf32, #tpu.memory_space<vmem_shared>>
    %dma_wait3A_12 = arith.constant 0 : i32
    %dma_wait3A_13 = tpu.memref_slice %arg2[%min3A_5, %dma_wait3A_12] : memref<1001x128xf32, #tpu.memory_space<hbm>> -> memref<64x128xf32, #tpu.memory_space<hbm>>
    tpu.wait_dma2 semaphore(%arg13 : memref<!tpu.dma_semaphore, #tpu.memory_space<semaphore_mem>>) src(%dma_wait3A_13 : memref<64x128xf32, #tpu.memory_space<hbm>>) dst(%dma_wait3A_11 : memref<64x128xf32, #tpu.memory_space<vmem_shared>>)
    %barrier3A = arith.constant 0 : index
    tpu.barrier barrier_id(%barrier3A)
    %dma_start3A_14 = arith.constant 0 : i32
    %dma_start3A_15 = arith.constant 0 : i32
    %dma_start3A_16 = arith.constant 0 : i32
    %dma_start3A_17 = tpu.memref_slice %arg7[%dma_start3A_15, %dma_start3A_16] : memref<512x128xf32, #tpu.memory_space<vmem>> -> memref<128x128xf32, #tpu.memory_space<vmem>>
    %dma_start3A_18 = arith.constant 0 : i32
    %dma_start3A_19 = tpu.memref_slice %arg6[%dma_start3A_14, %dma_start3A_18] : memref<4x128xi32, #tpu.memory_space<vmem>> -> memref<1x128xi32, #tpu.memory_space<vmem>>
    %dma_start3A_20 = tpu.memref_squeeze %dma_start3A_19 : memref<1x128xi32, #tpu.memory_space<vmem>> -> memref<128xi32, #tpu.memory_space<vmem>>
    %dma_start3A_21 = arith.constant 0 : i32
    %dma_start3A_22 = arith.constant 0 : i32
    %dma_start3A_23 = tpu.memref_slice %arg5[%dma_start3A_21, %dma_start3A_22] : memref<1000x128xf32, #tpu.memory_space<vmem_shared>> -> memref<1000x128xf32, #tpu.memory_space<vmem_shared>>
    tpu.enqueue_indirect_dma source(%dma_start3A_23 : memref<1000x128xf32, #tpu.memory_space<vmem_shared>>) target(%dma_start3A_17 : memref<128x128xf32, #tpu.memory_space<vmem>>) offsets(%dma_start3A_20 : memref<128xi32, #tpu.memory_space<vmem>>) semaphore(%arg8 : memref<!tpu.dma_semaphore, #tpu.memory_space<semaphore_mem>>)
    %dma_start3A_24 = arith.constant 1 : i32
    %dma_start3A_25 = arith.constant 128 : i32
    %dma_start3A_26 = arith.constant 0 : i32
    %dma_start3A_27 = tpu.memref_slice %arg7[%dma_start3A_25, %dma_start3A_26] : memref<512x128xf32, #tpu.memory_space<vmem>> -> memref<128x128xf32, #tpu.memory_space<vmem>>
    %dma_start3A_28 = arith.constant 0 : i32
    %dma_start3A_29 = tpu.memref_slice %arg6[%dma_start3A_24, %dma_start3A_28] : memref<4x128xi32, #tpu.memory_space<vmem>> -> memref<1x128xi32, #tpu.memory_space<vmem>>
    %dma_start3A_30 = tpu.memref_squeeze %dma_start3A_29 : memref<1x128xi32, #tpu.memory_space<vmem>> -> memref<128xi32, #tpu.memory_space<vmem>>
    %dma_start3A_31 = arith.constant 0 : i32
    %dma_start3A_32 = arith.constant 0 : i32
    %dma_start3A_33 = tpu.memref_slice %arg5[%dma_start3A_31, %dma_start3A_32] : memref<1000x128xf32, #tpu.memory_space<vmem_shared>> -> memref<1000x128xf32, #tpu.memory_space<vmem_shared>>
    tpu.enqueue_indirect_dma source(%dma_start3A_33 : memref<1000x128xf32, #tpu.memory_space<vmem_shared>>) target(%dma_start3A_27 : memref<128x128xf32, #tpu.memory_space<vmem>>) offsets(%dma_start3A_30 : memref<128xi32, #tpu.memory_space<vmem>>) semaphore(%arg9 : memref<!tpu.dma_semaphore, #tpu.memory_space<semaphore_mem>>)
    %dma_start3A_34 = arith.constant 2 : i32
    %dma_start3A_35 = arith.constant 256 : i32
    %dma_start3A_36 = arith.constant 0 : i32
    %dma_start3A_37 = tpu.memref_slice %arg7[%dma_start3A_35, %dma_start3A_36] : memref<512x128xf32, #tpu.memory_space<vmem>> -> memref<128x128xf32, #tpu.memory_space<vmem>>
    %dma_start3A_38 = arith.constant 0 : i32
    %dma_start3A_39 = tpu.memref_slice %arg6[%dma_start3A_34, %dma_start3A_38] : memref<4x128xi32, #tpu.memory_space<vmem>> -> memref<1x128xi32, #tpu.memory_space<vmem>>
    %dma_start3A_40 = tpu.memref_squeeze %dma_start3A_39 : memref<1x128xi32, #tpu.memory_space<vmem>> -> memref<128xi32, #tpu.memory_space<vmem>>
    %dma_start3A_41 = arith.constant 0 : i32
    %dma_start3A_42 = arith.constant 0 : i32
    %dma_start3A_43 = tpu.memref_slice %arg5[%dma_start3A_41, %dma_start3A_42] : memref<1000x128xf32, #tpu.memory_space<vmem_shared>> -> memref<1000x128xf32, #tpu.memory_space<vmem_shared>>
    tpu.enqueue_indirect_dma source(%dma_start3A_43 : memref<1000x128xf32, #tpu.memory_space<vmem_shared>>) target(%dma_start3A_37 : memref<128x128xf32, #tpu.memory_space<vmem>>) offsets(%dma_start3A_40 : memref<128xi32, #tpu.memory_space<vmem>>) semaphore(%arg10 : memref<!tpu.dma_semaphore, #tpu.memory_space<semaphore_mem>>)
    %dma_start3A_44 = arith.constant 3 : i32
    %dma_start3A_45 = arith.constant 384 : i32
    %dma_start3A_46 = arith.constant 0 : i32
    %dma_start3A_47 = tpu.memref_slice %arg7[%dma_start3A_45, %dma_start3A_46] : memref<512x128xf32, #tpu.memory_space<vmem>> -> memref<128x128xf32, #tpu.memory_space<vmem>>
    %dma_start3A_48 = arith.constant 0 : i32
    %dma_start3A_49 = tpu.memref_slice %arg6[%dma_start3A_44, %dma_start3A_48] : memref<4x128xi32, #tpu.memory_space<vmem>> -> memref<1x128xi32, #tpu.memory_space<vmem>>
    %dma_start3A_50 = tpu.memref_squeeze %dma_start3A_49 : memref<1x128xi32, #tpu.memory_space<vmem>> -> memref<128xi32, #tpu.memory_space<vmem>>
    %dma_start3A_51 = arith.constant 0 : i32
    %dma_start3A_52 = arith.constant 0 : i32
    %dma_start3A_53 = tpu.memref_slice %arg5[%dma_start3A_51, %dma_start3A_52] : memref<1000x128xf32, #tpu.memory_space<vmem_shared>> -> memref<1000x128xf32, #tpu.memory_space<vmem_shared>>
    tpu.enqueue_indirect_dma source(%dma_start3A_53 : memref<1000x128xf32, #tpu.memory_space<vmem_shared>>) target(%dma_start3A_47 : memref<128x128xf32, #tpu.memory_space<vmem>>) offsets(%dma_start3A_50 : memref<128xi32, #tpu.memory_space<vmem>>) semaphore(%arg11 : memref<!tpu.dma_semaphore, #tpu.memory_space<semaphore_mem>>)
    %dma_wait3A_54 = arith.constant 0 : i32
    %dma_wait3A_55 = arith.constant 0 : i32
    %dma_wait3A_56 = arith.constant 0 : i32
    %dma_wait3A_57 = tpu.memref_slice %arg7[%dma_wait3A_55, %dma_wait3A_56] : memref<512x128xf32, #tpu.memory_space<vmem>> -> memref<128x128xf32, #tpu.memory_space<vmem>>
    %dma_wait3A_58 = arith.constant 0 : i32
    %dma_wait3A_59 = tpu.memref_slice %arg6[%dma_wait3A_54, %dma_wait3A_58] : memref<4x128xi32, #tpu.memory_space<vmem>> -> memref<1x128xi32, #tpu.memory_space<vmem>>
    %dma_wait3A_60 = tpu.memref_squeeze %dma_wait3A_59 : memref<1x128xi32, #tpu.memory_space<vmem>> -> memref<128xi32, #tpu.memory_space<vmem>>
    %dma_wait3A_61 = arith.constant 0 : i32
    %dma_wait3A_62 = arith.constant 0 : i32
    %dma_wait3A_63 = tpu.memref_slice %arg5[%dma_wait3A_61, %dma_wait3A_62] : memref<1000x128xf32, #tpu.memory_space<vmem_shared>> -> memref<1000x128xf32, #tpu.memory_space<vmem_shared>>
    tpu.wait_indirect_dma semaphore(%arg8 : memref<!tpu.dma_semaphore, #tpu.memory_space<semaphore_mem>>) src(%dma_wait3A_63 : memref<1000x128xf32, #tpu.memory_space<vmem_shared>>) dst(%dma_wait3A_57 : memref<128x128xf32, #tpu.memory_space<vmem>>)
    %add3A_64 = arith.constant 0 : i32
    %add3A_65 = arith.addi %mul3A_2, %add3A_64 : i32
    %dma_start3A_66 = arith.constant 0 : i32
    %dma_start3A_67 = arith.constant 0 : i32
    %dma_start3A_68 = tpu.memref_slice %arg7[%dma_start3A_66, %dma_start3A_67] : memref<512x128xf32, #tpu.memory_space<vmem>> -> memref<128x128xf32, #tpu.memory_space<vmem>>
    %dma_start3A_69 = arith.constant 0 : i32
    %dma_start3A_70 = tpu.memref_slice %arg4[%add3A_65, %dma_start3A_69] : memref<16384x128xf32, #tpu.memory_space<hbm>> -> memref<128x128xf32, #tpu.memory_space<hbm>>
    %dma_start3A_71 = arith.constant 0 : i32
    %dma_start3A_72 = tpu.memref_slice %arg4[%add3A_65, %dma_start3A_71] : memref<16384x128xf32, #tpu.memory_space<hbm>> -> memref<128x128xf32, #tpu.memory_space<hbm>>
    %dma_start3A_73 = arith.constant 0 : i32
    %dma_start3A_74 = arith.constant 0 : i32
    %dma_start3A_75 = tpu.memref_slice %arg7[%dma_start3A_73, %dma_start3A_74] : memref<512x128xf32, #tpu.memory_space<vmem>> -> memref<128x128xf32, #tpu.memory_space<vmem>>
    tpu.enqueue_dma source(%dma_start3A_75 : memref<128x128xf32, #tpu.memory_space<vmem>>) target(%dma_start3A_72 : memref<128x128xf32, #tpu.memory_space<hbm>>) target_semaphore(%arg12 : memref<!tpu.dma_semaphore, #tpu.memory_space<semaphore_mem>>)
    %dma_wait3A_76 = arith.constant 1 : i32
    %dma_wait3A_77 = arith.constant 128 : i32
    %dma_wait3A_78 = arith.constant 0 : i32
    %dma_wait3A_79 = tpu.memref_slice %arg7[%dma_wait3A_77, %dma_wait3A_78] : memref<512x128xf32, #tpu.memory_space<vmem>> -> memref<128x128xf32, #tpu.memory_space<vmem>>
    %dma_wait3A_80 = arith.constant 0 : i32
    %dma_wait3A_81 = tpu.memref_slice %arg6[%dma_wait3A_76, %dma_wait3A_80] : memref<4x128xi32, #tpu.memory_space<vmem>> -> memref<1x128xi32, #tpu.memory_space<vmem>>
    %dma_wait3A_82 = tpu.memref_squeeze %dma_wait3A_81 : memref<1x128xi32, #tpu.memory_space<vmem>> -> memref<128xi32, #tpu.memory_space<vmem>>
    %dma_wait3A_83 = arith.constant 0 : i32
    %dma_wait3A_84 = arith.constant 0 : i32
    %dma_wait3A_85 = tpu.memref_slice %arg5[%dma_wait3A_83, %dma_wait3A_84] : memref<1000x128xf32, #tpu.memory_space<vmem_shared>> -> memref<1000x128xf32, #tpu.memory_space<vmem_shared>>
    tpu.wait_indirect_dma semaphore(%arg9 : memref<!tpu.dma_semaphore, #tpu.memory_space<semaphore_mem>>) src(%dma_wait3A_85 : memref<1000x128xf32, #tpu.memory_space<vmem_shared>>) dst(%dma_wait3A_79 : memref<128x128xf32, #tpu.memory_space<vmem>>)
    %add3A_86 = arith.constant 128 : i32
    %add3A_87 = arith.addi %mul3A_2, %add3A_86 : i32
    %dma_start3A_88 = arith.constant 128 : i32
    %dma_start3A_89 = arith.constant 0 : i32
    %dma_start3A_90 = tpu.memref_slice %arg7[%dma_start3A_88, %dma_start3A_89] : memref<512x128xf32, #tpu.memory_space<vmem>> -> memref<128x128xf32, #tpu.memory_space<vmem>>
    %dma_start3A_91 = arith.constant 0 : i32
    %dma_start3A_92 = tpu.memref_slice %arg4[%add3A_87, %dma_start3A_91] : memref<16384x128xf32, #tpu.memory_space<hbm>> -> memref<128x128xf32, #tpu.memory_space<hbm>>
    %dma_start3A_93 = arith.constant 0 : i32
    %dma_start3A_94 = tpu.memref_slice %arg4[%add3A_87, %dma_start3A_93] : memref<16384x128xf32, #tpu.memory_space<hbm>> -> memref<128x128xf32, #tpu.memory_space<hbm>>
    %dma_start3A_95 = arith.constant 128 : i32
    %dma_start3A_96 = arith.constant 0 : i32
    %dma_start3A_97 = tpu.memref_slice %arg7[%dma_start3A_95, %dma_start3A_96] : memref<512x128xf32, #tpu.memory_space<vmem>> -> memref<128x128xf32, #tpu.memory_space<vmem>>
    tpu.enqueue_dma source(%dma_start3A_97 : memref<128x128xf32, #tpu.memory_space<vmem>>) target(%dma_start3A_94 : memref<128x128xf32, #tpu.memory_space<hbm>>) target_semaphore(%arg12 : memref<!tpu.dma_semaphore, #tpu.memory_space<semaphore_mem>>)
    %dma_wait3A_98 = arith.constant 2 : i32
    %dma_wait3A_99 = arith.constant 256 : i32
    %dma_wait3A_100 = arith.constant 0 : i32
    %dma_wait3A_101 = tpu.memref_slice %arg7[%dma_wait3A_99, %dma_wait3A_100] : memref<512x128xf32, #tpu.memory_space<vmem>> -> memref<128x128xf32, #tpu.memory_space<vmem>>
    %dma_wait3A_102 = arith.constant 0 : i32
    %dma_wait3A_103 = tpu.memref_slice %arg6[%dma_wait3A_98, %dma_wait3A_102] : memref<4x128xi32, #tpu.memory_space<vmem>> -> memref<1x128xi32, #tpu.memory_space<vmem>>
    %dma_wait3A_104 = tpu.memref_squeeze %dma_wait3A_103 : memref<1x128xi32, #tpu.memory_space<vmem>> -> memref<128xi32, #tpu.memory_space<vmem>>
    %dma_wait3A_105 = arith.constant 0 : i32
    %dma_wait3A_106 = arith.constant 0 : i32
    %dma_wait3A_107 = tpu.memref_slice %arg5[%dma_wait3A_105, %dma_wait3A_106] : memref<1000x128xf32, #tpu.memory_space<vmem_shared>> -> memref<1000x128xf32, #tpu.memory_space<vmem_shared>>
    tpu.wait_indirect_dma semaphore(%arg10 : memref<!tpu.dma_semaphore, #tpu.memory_space<semaphore_mem>>) src(%dma_wait3A_107 : memref<1000x128xf32, #tpu.memory_space<vmem_shared>>) dst(%dma_wait3A_101 : memref<128x128xf32, #tpu.memory_space<vmem>>)
    %add3A_108 = arith.constant 256 : i32
    %add3A_109 = arith.addi %mul3A_2, %add3A_108 : i32
    %dma_start3A_110 = arith.constant 256 : i32
    %dma_start3A_111 = arith.constant 0 : i32
    %dma_start3A_112 = tpu.memref_slice %arg7[%dma_start3A_110, %dma_start3A_111] : memref<512x128xf32, #tpu.memory_space<vmem>> -> memref<128x128xf32, #tpu.memory_space<vmem>>
    %dma_start3A_113 = arith.constant 0 : i32
    %dma_start3A_114 = tpu.memref_slice %arg4[%add3A_109, %dma_start3A_113] : memref<16384x128xf32, #tpu.memory_space<hbm>> -> memref<128x128xf32, #tpu.memory_space<hbm>>
    %dma_start3A_115 = arith.constant 0 : i32
    %dma_start3A_116 = tpu.memref_slice %arg4[%add3A_109, %dma_start3A_115] : memref<16384x128xf32, #tpu.memory_space<hbm>> -> memref<128x128xf32, #tpu.memory_space<hbm>>
    %dma_start3A_117 = arith.constant 256 : i32
    %dma_start3A_118 = arith.constant 0 : i32
    %dma_start3A_119 = tpu.memref_slice %arg7[%dma_start3A_117, %dma_start3A_118] : memref<512x128xf32, #tpu.memory_space<vmem>> -> memref<128x128xf32, #tpu.memory_space<vmem>>
    tpu.enqueue_dma source(%dma_start3A_119 : memref<128x128xf32, #tpu.memory_space<vmem>>) target(%dma_start3A_116 : memref<128x128xf32, #tpu.memory_space<hbm>>) target_semaphore(%arg12 : memref<!tpu.dma_semaphore, #tpu.memory_space<semaphore_mem>>)
    %dma_wait3A_120 = arith.constant 3 : i32
    %dma_wait3A_121 = arith.constant 384 : i32
    %dma_wait3A_122 = arith.constant 0 : i32
    %dma_wait3A_123 = tpu.memref_slice %arg7[%dma_wait3A_121, %dma_wait3A_122] : memref<512x128xf32, #tpu.memory_space<vmem>> -> memref<128x128xf32, #tpu.memory_space<vmem>>
    %dma_wait3A_124 = arith.constant 0 : i32
    %dma_wait3A_125 = tpu.memref_slice %arg6[%dma_wait3A_120, %dma_wait3A_124] : memref<4x128xi32, #tpu.memory_space<vmem>> -> memref<1x128xi32, #tpu.memory_space<vmem>>
    %dma_wait3A_126 = tpu.memref_squeeze %dma_wait3A_125 : memref<1x128xi32, #tpu.memory_space<vmem>> -> memref<128xi32, #tpu.memory_space<vmem>>
    %dma_wait3A_127 = arith.constant 0 : i32
    %dma_wait3A_128 = arith.constant 0 : i32
    %dma_wait3A_129 = tpu.memref_slice %arg5[%dma_wait3A_127, %dma_wait3A_128] : memref<1000x128xf32, #tpu.memory_space<vmem_shared>> -> memref<1000x128xf32, #tpu.memory_space<vmem_shared>>
    tpu.wait_indirect_dma semaphore(%arg11 : memref<!tpu.dma_semaphore, #tpu.memory_space<semaphore_mem>>) src(%dma_wait3A_129 : memref<1000x128xf32, #tpu.memory_space<vmem_shared>>) dst(%dma_wait3A_123 : memref<128x128xf32, #tpu.memory_space<vmem>>)
    %add3A_130 = arith.constant 384 : i32
    %add3A_131 = arith.addi %mul3A_2, %add3A_130 : i32
    %dma_start3A_132 = arith.constant 384 : i32
    %dma_start3A_133 = arith.constant 0 : i32
    %dma_start3A_134 = tpu.memref_slice %arg7[%dma_start3A_132, %dma_start3A_133] : memref<512x128xf32, #tpu.memory_space<vmem>> -> memref<128x128xf32, #tpu.memory_space<vmem>>
    %dma_start3A_135 = arith.constant 0 : i32
    %dma_start3A_136 = tpu.memref_slice %arg4[%add3A_131, %dma_start3A_135] : memref<16384x128xf32, #tpu.memory_space<hbm>> -> memref<128x128xf32, #tpu.memory_space<hbm>>
    %dma_start3A_137 = arith.constant 0 : i32
    %dma_start3A_138 = tpu.memref_slice %arg4[%add3A_131, %dma_start3A_137] : memref<16384x128xf32, #tpu.memory_space<hbm>> -> memref<128x128xf32, #tpu.memory_space<hbm>>
    %dma_start3A_139 = arith.constant 384 : i32
    %dma_start3A_140 = arith.constant 0 : i32
    %dma_start3A_141 = tpu.memref_slice %arg7[%dma_start3A_139, %dma_start3A_140] : memref<512x128xf32, #tpu.memory_space<vmem>> -> memref<128x128xf32, #tpu.memory_space<vmem>>
    tpu.enqueue_dma source(%dma_start3A_141 : memref<128x128xf32, #tpu.memory_space<vmem>>) target(%dma_start3A_138 : memref<128x128xf32, #tpu.memory_space<hbm>>) target_semaphore(%arg12 : memref<!tpu.dma_semaphore, #tpu.memory_space<semaphore_mem>>)
    %dma_wait3A_142 = arith.constant 0 : i32
    %dma_wait3A_143 = arith.constant 0 : i32
    %dma_wait3A_144 = tpu.memref_slice %arg7[%dma_wait3A_142, %dma_wait3A_143] : memref<512x128xf32, #tpu.memory_space<vmem>> -> memref<128x128xf32, #tpu.memory_space<vmem>>
    %dma_wait3A_145 = arith.constant 0 : i32
    %dma_wait3A_146 = tpu.memref_slice %arg4[%add3A_65, %dma_wait3A_145] : memref<16384x128xf32, #tpu.memory_space<hbm>> -> memref<128x128xf32, #tpu.memory_space<hbm>>
    %dma_wait3A_147 = arith.constant 0 : i32
    %dma_wait3A_148 = tpu.memref_slice %arg4[%add3A_65, %dma_wait3A_147] : memref<16384x128xf32, #tpu.memory_space<hbm>> -> memref<128x128xf32, #tpu.memory_space<hbm>>
    %dma_wait3A_149 = arith.constant 0 : i32
    %dma_wait3A_150 = arith.constant 0 : i32
    %dma_wait3A_151 = tpu.memref_slice %arg7[%dma_wait3A_149, %dma_wait3A_150] : memref<512x128xf32, #tpu.memory_space<vmem>> -> memref<128x128xf32, #tpu.memory_space<vmem>>
    tpu.wait_dma2 semaphore(%arg12 : memref<!tpu.dma_semaphore, #tpu.memory_space<semaphore_mem>>) src(%dma_wait3A_151 : memref<128x128xf32, #tpu.memory_space<vmem>>) dst(%dma_wait3A_148 : memref<128x128xf32, #tpu.memory_space<hbm>>)
    %dma_wait3A_152 = arith.constant 128 : i32
    %dma_wait3A_153 = arith.constant 0 : i32
    %dma_wait3A_154 = tpu.memref_slice %arg7[%dma_wait3A_152, %dma_wait3A_153] : memref<512x128xf32, #tpu.memory_space<vmem>> -> memref<128x128xf32, #tpu.memory_space<vmem>>
    %dma_wait3A_155 = arith.constant 0 : i32
    %dma_wait3A_156 = tpu.memref_slice %arg4[%add3A_87, %dma_wait3A_155] : memref<16384x128xf32, #tpu.memory_space<hbm>> -> memref<128x128xf32, #tpu.memory_space<hbm>>
    %dma_wait3A_157 = arith.constant 0 : i32
    %dma_wait3A_158 = tpu.memref_slice %arg4[%add3A_87, %dma_wait3A_157] : memref<16384x128xf32, #tpu.memory_space<hbm>> -> memref<128x128xf32, #tpu.memory_space<hbm>>
    %dma_wait3A_159 = arith.constant 128 : i32
    %dma_wait3A_160 = arith.constant 0 : i32
    %dma_wait3A_161 = tpu.memref_slice %arg7[%dma_wait3A_159, %dma_wait3A_160] : memref<512x128xf32, #tpu.memory_space<vmem>> -> memref<128x128xf32, #tpu.memory_space<vmem>>
    tpu.wait_dma2 semaphore(%arg12 : memref<!tpu.dma_semaphore, #tpu.memory_space<semaphore_mem>>) src(%dma_wait3A_161 : memref<128x128xf32, #tpu.memory_space<vmem>>) dst(%dma_wait3A_158 : memref<128x128xf32, #tpu.memory_space<hbm>>)
    %dma_wait3A_162 = arith.constant 256 : i32
    %dma_wait3A_163 = arith.constant 0 : i32
    %dma_wait3A_164 = tpu.memref_slice %arg7[%dma_wait3A_162, %dma_wait3A_163] : memref<512x128xf32, #tpu.memory_space<vmem>> -> memref<128x128xf32, #tpu.memory_space<vmem>>
    %dma_wait3A_165 = arith.constant 0 : i32
    %dma_wait3A_166 = tpu.memref_slice %arg4[%add3A_109, %dma_wait3A_165] : memref<16384x128xf32, #tpu.memory_space<hbm>> -> memref<128x128xf32, #tpu.memory_space<hbm>>
    %dma_wait3A_167 = arith.constant 0 : i32
    %dma_wait3A_168 = tpu.memref_slice %arg4[%add3A_109, %dma_wait3A_167] : memref<16384x128xf32, #tpu.memory_space<hbm>> -> memref<128x128xf32, #tpu.memory_space<hbm>>
    %dma_wait3A_169 = arith.constant 256 : i32
    %dma_wait3A_170 = arith.constant 0 : i32
    %dma_wait3A_171 = tpu.memref_slice %arg7[%dma_wait3A_169, %dma_wait3A_170] : memref<512x128xf32, #tpu.memory_space<vmem>> -> memref<128x128xf32, #tpu.memory_space<vmem>>
    tpu.wait_dma2 semaphore(%arg12 : memref<!tpu.dma_semaphore, #tpu.memory_space<semaphore_mem>>) src(%dma_wait3A_171 : memref<128x128xf32, #tpu.memory_space<vmem>>) dst(%dma_wait3A_168 : memref<128x128xf32, #tpu.memory_space<hbm>>)
    %dma_wait3A_172 = arith.constant 384 : i32
    %dma_wait3A_173 = arith.constant 0 : i32
    %dma_wait3A_174 = tpu.memref_slice %arg7[%dma_wait3A_172, %dma_wait3A_173] : memref<512x128xf32, #tpu.memory_space<vmem>> -> memref<128x128xf32, #tpu.memory_space<vmem>>
    %dma_wait3A_175 = arith.constant 0 : i32
    %dma_wait3A_176 = tpu.memref_slice %arg4[%add3A_131, %dma_wait3A_175] : memref<16384x128xf32, #tpu.memory_space<hbm>> -> memref<128x128xf32, #tpu.memory_space<hbm>>
    %dma_wait3A_177 = arith.constant 0 : i32
    %dma_wait3A_178 = tpu.memref_slice %arg4[%add3A_131, %dma_wait3A_177] : memref<16384x128xf32, #tpu.memory_space<hbm>> -> memref<128x128xf32, #tpu.memory_space<hbm>>
    %dma_wait3A_179 = arith.constant 384 : i32
    %dma_wait3A_180 = arith.constant 0 : i32
    %dma_wait3A_181 = tpu.memref_slice %arg7[%dma_wait3A_179, %dma_wait3A_180] : memref<512x128xf32, #tpu.memory_space<vmem>> -> memref<128x128xf32, #tpu.memory_space<vmem>>
    tpu.wait_dma2 semaphore(%arg12 : memref<!tpu.dma_semaphore, #tpu.memory_space<semaphore_mem>>) src(%dma_wait3A_181 : memref<128x128xf32, #tpu.memory_space<vmem>>) dst(%dma_wait3A_178 : memref<128x128xf32, #tpu.memory_space<hbm>>)
    return
  }
}

</mosaic_0001>

<sc_bundles>
// kernel: kernel.3.cloned.1.call-start
scs
__scs_entry_jumppad:
0x0: {  	(pc) =	sbr.rel $0x88, $3  }
0x1: {  	(tag) =	ssettag $0x0;
	lr =	simm.s32 $0x1  }
0x2: {  	[smem:$0x3F9F] =	sst lr;
	_ =	strace $0xD0000000  }
0x3: {  	_ = 	snop  }
0x4: {  	_ = 	snop  }
0x5: {  	_ = 	snop  }
0x6: {  	_ = 	snop  }
0x7: {  	_ = 	snop  }
__scs_overlays_trampoline_lowered:
0x8: {  	[smem:$0x3FAE] =	sst s0  }
0x9: {  	[smem:$0x3FAF] =	sst s1  }
0xa: {  	[smem:$0x3FB0] =	sst s2  }
0xb: {  	[smem:$0x3FB1] =	sst s3  }
0xc: {  	[smem:$0x3FB2] =	sst s4  }
0xd: {  	[smem:$0x3FB3] =	sst s5  }
0xe: {  	[smem:$0x3FB4] =	sst s6  }
0xf: {  	[smem:$0x3FB5] =	sst s7  }
0x10: {  	[smem:$0x3FB6] =	sst s8  }
0x11: {  	[smem:$0x3FB7] =	sst s9;
	s0 =	simm.s32 @!p0 $0x0  }
0x12: {  	s1 =	sld [smem:$0x3F9D];
	s0 =	simm.s32 @p0 $0x1  }
0x13: {  	[smem:$0x3FB8] =	sst s0;
	s0 =	simm.s32 @!p1 $0x0  }
0x14: {  	s2 =	sld [smem:$0x3F9C];
	s0 =	simm.s32 @p1 $0x1  }
0x15: {  	[smem:$0x3FB9] =	sst s0;
	s0 =	simm.s32 @!p2 $0x0  }
0x16: {  	s3 =	sld [smem:$0x3FDB];
	s0 =	simm.s32 @p2 $0x1  }
0x17: {  	s4 =	simm.s32 $0x1BF5;
	[smem:$0x3FBB] =	sst s0  }
0x18: {  	s0 =	sld [smem:$0x3F9E];
	_ =	swait.ge [sflag:s4], $0x0  }
0x19: {  	s7 =	sld [smem:$0x3F9F]  }
0x1a: {  	s8 =	sadd.s32 $0xFFFFE003, lr  }
0x1b: {  	s9 =	sadd.s32 $0xFFFFFEF7, lr;
	s5 =	simm.s32 $0xFFFFFFFF;
	p2 =	slt.u32 s8, $0xFFFFF086  }
0x1c: {  	p1 =	slt.u32 s9, $0xF7A;
	s5 =	simm.s32 @!p2 $0x0  }
0x1d: {  	s5 =	simm.s32 @p1 $0x1;
	p0 =	seq.s32 s7, s2  }
0x1e: {  	s7 =	smul.u32 @!p0 $0xF7A, s2;
	p2 =	seq.s32 @!p0 s5, $0x0  }
0x1f: {  	s9 =	smul.u32 $0xF7A, s1;
	s8 =	simm.s32 @!p0 $0x1BF5;
	p2 =	por !p2, p0  }
0x20: {  	[sflag:s8] =	ssyncset.s32 @!p0 $0xFFFFF086;
	s6 =	sadd.s32 @!p0 s3, s7;
	s7 =	simm.s32 @!p0 $0x108  }
0x21: {  	s3 =	sadd.s32 s3, s9;
	s6 =	sadd.s32 @!p0 $0x88, s6;
	s7 =	simm.s32 @p2 $0x1082  }
0x22: {  	[simem:s7], [sflag:s8] =	dma.local @!p0 [hbm:s6], $0xF7A  }
0x23: {  	s9 =	sor.u32 $0xD0000000, s2;
	s6 =	simm.s32 $0x108;
	_ =	swait.ge @!p0 [sflag:s8], $0x0  }
0x24: {  	s3 =	sadd.s32 $0x88, s3;
	s6 =	simm.s32 @!p1 $0x1082;
	[sflag:s4] =	ssyncset.s32 $0xFFFFF086  }
0x25: {  	[simem:s6], [sflag:s4] =	dma.local [hbm:s3], $0xF7A  }
0x26: {  	[smem:$0x3F9F] =	sst s1;
	(tag) =	ssettag s2;
	_ =	strace s9  }
0x27: {  	s1 =	sld [smem:$0x3FAF]  }
0x28: {  	s2 =	sld [smem:$0x3FB0]  }
0x29: {  	s4 =	sld [smem:$0x3FB2]  }
0x2a: {  	p0 =	seq.s32 s5, $0x0;
	s5 =	sld [smem:$0x3FB3]  }
0x2b: {  	s6 =	sld [smem:$0x3FB4]  }
0x2c: {  	s7 =	sld [smem:$0x3FB5]  }
0x2d: {  	s3 =	simm.s32 $0x108;
	s8 =	sld [smem:$0x3FB6]  }
0x2e: {  	s3 =	simm.s32 @!p0 $0x1082;
	s9 =	sld [smem:$0x3FB7]  }
0x2f: {  	lr =	sadd.s32 s0, s3;
	s0 =	sld [smem:$0x3FAE]  }
0x30: {  	s3 =	sld [smem:$0x3FB1]  }
0x31: {  	[smem:$0x3FBA] =	sst s10  }
0x32: {  	s10 =	sld [smem:$0x3FB8];
	_ =	sdelay $0x3  }
0x33: {  	p0 =	seq.s32 s10, $0x1;
	s10 =	sld [smem:$0x3FBA];
	_ =	sdelay $0x3  }
0x34: {  	[smem:$0x3FBA] =	sst s10  }
0x35: {  	s10 =	sld [smem:$0x3FB9];
	_ =	sdelay $0x3  }
0x36: {  	p1 =	seq.s32 s10, $0x1;
	s10 =	sld [smem:$0x3FBA];
	_ =	sdelay $0x3  }
0x37: {  	[smem:$0x3FBA] =	sst s10  }
0x38: {  	s10 =	sld [smem:$0x3FBB]  }
0x39: {  	_ = 	snop;
	(pc) =	sbr.ind lr, $3  }
0x3a: {  	_ = 	snop  }
0x3b: {  	_ = 	snop  }
0x3c: {  	p2 =	seq.s32 s10, $0x1;
	s10 =	sld [smem:$0x3FBA]  }
0x3d: {  	_ =	shalt  }
0x3e: {  	_ =	shalt  }
0x3f: {  	_ =	shalt  }
0x40: {  	_ =	shalt  }
0x41: {  	_ =	shalt  }
0x42: {  	_ =	shalt  }
0x43: {  	_ =	shalt  }
0x44: {  	_ =	shalt  }
0x45: {  	_ =	shalt  }
0x46: {  	_ =	shalt  }
0x47: {  	_ =	shalt  }
0x48: {  	_ =	shalt  }
0x49: {  	_ =	shalt  }
0x4a: {  	_ =	shalt  }
0x4b: {  	_ =	shalt  }
0x4c: {  	_ =	shalt  }
0x4d: {  	_ =	shalt  }
0x4e: {  	_ =	shalt  }
0x4f: {  	_ =	shalt  }
0x50: {  	_ =	shalt  }
0x51: {  	_ =	shalt  }
0x52: {  	_ =	shalt  }
0x53: {  	_ =	shalt  }
0x54: {  	_ =	shalt  }
0x55: {  	_ =	shalt  }
0x56: {  	_ =	shalt  }
0x57: {  	_ =	shalt  }
0x58: {  	_ =	shalt  }
0x59: {  	_ =	shalt  }
0x5a: {  	_ =	shalt  }
0x5b: {  	_ =	shalt  }
0x5c: {  	_ =	shalt  }
0x5d: {  	_ =	shalt  }
0x5e: {  	_ =	shalt  }
0x5f: {  	_ =	shalt  }
0x60: {  	_ =	shalt  }
0x61: {  	_ =	shalt  }
0x62: {  	_ =	shalt  }
0x63: {  	_ =	shalt  }
0x64: {  	_ =	shalt  }
0x65: {  	_ =	shalt  }
0x66: {  	_ =	shalt  }
0x67: {  	_ =	shalt  }
0x68: {  	_ =	shalt  }
0x69: {  	_ =	shalt  }
0x6a: {  	_ =	shalt  }
0x6b: {  	_ =	shalt  }
0x6c: {  	_ =	shalt  }
0x6d: {  	_ =	shalt  }
0x6e: {  	_ =	shalt  }
0x6f: {  	_ =	shalt  }
0x70: {  	_ =	shalt  }
0x71: {  	_ =	shalt  }
0x72: {  	_ =	shalt  }
0x73: {  	_ =	shalt  }
0x74: {  	_ =	shalt  }
0x75: {  	_ =	shalt  }
0x76: {  	_ =	shalt  }
0x77: {  	_ =	shalt  }
0x78: {  	_ =	shalt  }
0x79: {  	_ =	shalt  }
0x7a: {  	_ =	shalt  }
0x7b: {  	_ =	shalt  }
0x7c: {  	_ =	shalt  }
0x7d: {  	_ =	shalt  }
0x7e: {  	_ =	shalt  }
0x7f: {  	_ =	shalt  }
0x80: {  	_ =	shalt  }
0x81: {  	_ =	shalt  }
0x82: {  	_ =	shalt  }
0x83: {  	_ =	shalt  }
0x84: {  	_ =	shalt  }
0x85: {  	_ =	shalt  }
0x86: {  	_ =	shalt  }
0x87: {  	_ =	shalt  }
.Lfunc_end0:
.L_simem_size_0:
called_computation_lowered:
.L_overlay_start_0:
0x88: {  	s2 =	sld [smem:$0x3FD9]  }
0x89: {  	s3 =	sld [smem:$0x3FFE];
	_ =	sdelay $0x1  }
0x8a: {  	s1 =	srdreg.scid  }
0x8b: {  	s0 =	sand.u32 $0x1, s1  }
0x8c: {  	s18 =	sshll.u32 s0, $0xA;
	s2 =	sadd.s32 s3, s2  }
0x8d: {  	s2 =	sadd.s32 s2, s18  }
0x8e: {  	[smem:$0x3FC6] =	sst s2  }
0x8f: {  	_ = 	snop  }
0x90: {  	s2 =	sld [smem:$0x3FC9]  }
0x91: {  	s19 =	sld [smem:$0x3FC8]  }
0x92: {  	s4 =	sld [smem:$0x3FD0];
	(tm) =	ssettm $0x1  }
0x93: {  	s5 =	sld [smem:$0x3FFB];
	_ =	sdelay $0x3  }
0x94: {  	_ =	strace s5  }
0x95: {  	s5 =	sld [smem:$0x3FFC];
	_ =	sdelay $0x3  }
0x96: {  	_ =	strace s5  }
0x97: {  	s5 =	sld [smem:$0x3FFD];
	_ =	sdelay $0x3  }
0x98: {  	_ =	strace s5  }
0x99: {  	_ =	strace $0x8FFFFFFF  }
0x9a: {  	s20 =	sld [smem:$0x3FDB];
	_ =	sdelay $0x1  }
0x9b: {  	s6 =	simm.s32 $_scs_section_size  }
0x9c: {  	s7 =	simm.s32 $_size__tile_overlayer_lowered;
	s8 =	simm.s32 $_tile_overlayer_lowered  }
0x9d: {  	s23 =	simm.s32 $0x1BFF;
	s22 =	sshll.u32 s8, $0x1;
	s5 =	sadd.s32 s6, s20  }
0x9e: {  	s9 =	simm.s32 $0x0;
	s21 =	sshll.u32 s7, $0x1;
	s7 =	sadd.s32 s22, s5  }
0x9f: {  	[timem:s9], [sflag:s23] =	dma.local [hbm:s7], s21  }
0xa0: {  	_ =	swait.ge [sflag:s23], s21  }
0xa1: {  	s6 =	ssub.s32 $0x0, s21;
	[sflag:s23] =	ssyncset.done $0x0  }
0xa2: {  	[sflag:s23] =	ssyncadd.s32 s6;
	_ =	sdelay $0x1  }
0xa3: {  	s24 =	simm.s32 $0x1B8B  }
0xa4: {  	_ =	swait.ge [sflag:s24], $0x1  }
0xa5: {  	[sflag:s24] =	ssyncset.done $0x0  }
0xa6: {  	s25 =	simm.s32 $0x1B8E;
	[sflag:s24] =	ssyncadd.s32 $0xFFFFFFFF  }
0xa7: {  	s26 =	simm.s32 $execute0_lowered;
	[smem:$0x3FD2] =	sst s25  }
0xa8: {  	s6 =	sshll.u32 s26, $0x1;
	_ =	strace $0x80000046;
	[dreg:$0x1] =	wrdreg $0xFFFFFFFF  }
0xa9: {  	s28 =	simm.s32 $_size_execute0_lowered;
	s5 =	sadd.s32 s5, s6;
	[dreg:$0x0] =	wrdreg $0x0  }
0xaa: {  	s6 =	sshll.u32 s28, $0x1;
	[dreg:$0x2] =	wrdreg s5  }
0xab: {  	[dreg:$0x3] =	wrdreg s6  }
0xac: {  	[dreg:$0x4] =	wrdreg $0xC0  }
0xad: {  	_ =	task [dreg:s9], $0x5FFFF  }
0xae: {  	[dreg:$0x1] =	wrdreg $0xFFFFFFFF  }
0xaf: {  	[dreg:$0x0] =	wrdreg $0x60  }
0xb0: {  	[dreg:$0x2] =	wrdreg s19  }
0xb1: {  	[dreg:$0x3] =	wrdreg s2  }
0xb2: {  	[dreg:$0x4] =	wrdreg s4  }
0xb3: {  	[dreg:$0x5] =	wrdreg $0x0  }
0xb4: {  	[dreg:$0x6] =	wrdreg $0x9  }
0xb5: {  	_ =	task.clear_ibuf [dreg:s9], $0x7FFFF;
	_ =	strace $0x90000046  }
0xb6: {  	s29 =	simm.s32 $0x9;
	_ =	strace $0x80000048  }
0xb7: {  	_ =	swait.ge [sflag:s29], $0x1  }
0xb8: {  	[sflag:s29] =	ssyncadd.s32 $0xFFFFFFFF  }
0xb9: {  	_ =	strace $0x90000048  }
0xba: {  	_ =	sfence  }
0xbb: {  	s30 =	sld [smem:$0x0];
	_ =	sdelay $0x2  }
0xbc: {  	s31 =	sshll.u32 s1, $0xD;
	s1 =	sshrl.u32 s1, $0x2  }
0xbd: {  	s3 =	sand.u32 $0x4000, s31;
	s1 =	sadd.s32 s1, s30  }
0xbe: {  	s0 =	sor.u32 s3, s0;
	s1 =	sshll.u32 s1, $0x11  }
0xbf: {  	s0 =	sor.u32 s1, s0  }
0xc0: {  	s0 =	sadd.s32 $0x8F2B, s0  }
0xc1: {  	[sflag:s0] =	ssyncadd.remote.s32 $0x1  }
0xc2: {  	_ =	sfence.sel $0xFFFF  }
0xc3: {  	[dreg:$0x0] =	wrdreg $0xFFFFFFFF;
	(pc) =	sbr.abs _section_cstart, $3  }
0xc4: {  	[dreg:$0x1] =	wrdreg $0xFFFFFFFF  }
0xc5: {  	_ =	task.clear_ibuf [dreg:s9], $0x2FFFF;
	_ =	strace $0x9FFFFFFF  }
0xc6: {  	(tm) =	ssettm $0x7FFFFFFF  }
0xc7: {  	_ =	shalt  }
tec
execute0_lowered:
.L_overlay_start_1:
0x0: {  	(tag) =	ssettag $0x1  }
0x1: {  	s4 =	rddreg [dreg:$0x0]  }
0x2: {  	s5 =	rddreg [dreg:$0x1]  }
0x3: {  	s20 =	rddreg [dreg:$0x2]  }
0x4: {  	s2 =	rddreg [dreg:$0x3]  }
0x5: {  	s1 =	stileid.u32;
	s0 =	rddreg [dreg:$0x4];
	s3 =	simm.s32 $0x0  }
0x6: {  	s7 =	srdreg.scid;
	s6 =	sshll.u32 s1, $0x6;
	[smem:$0x7FF] =	sst s3  }
0x7: {  	s29 =	sand.u32 $0x1, s7;
	s10 =	sshll.u32 s1, $0x7;
	s8 =	smin.u32 s6, $0x3A8  }
0x8: {  	_ =	strace $0x80000047;
	s9 =	sshll.u32 s29, $0x6;
	s31 =	sshll.u32 s8, $0x7  }
0x9: {  	s8 =	sshll.u32 s8, $0x4;
	s9 =	sadd.s32 s5, s9;
	s5 =	sor.u32 $0x1C06, s6  }
0xa: {  	s7 =	sadd.s32 s31, s2;
	s4 =	sadd.s32 s4, s8;
	s6 =	sadd.s32 s10, s9  }
0xb: {  	s8 =	simm.s32 $0x1F40;
	s9 =	simm.s32 $0x7;
	s7 =	sshrl.u32 s7, $0x3  }
0xc: {  	[spmem:s7], [sflag:s5] =	dma.local [hbm:s4], $0x400  }
0xd: {  	[tilespmem:s8], [sflag:$0x7] =	stream.linear.gather [hbm4b:s6+s3], $0x200, $0x38;
	[tilespmem:$0x12140] =	vst v63  }
0xe: {  	_ =	swait.ge [sflag:s9], $0x200  }
0xf: {  	[sflag:s9] =	ssyncset.done $0x0  }
0x10: {  	s10 =	simm.s32 $0x6;
	[sflag:s9] =	ssyncadd.s32 $0xFFFFFE00  }
0x11: {  	_ =	swait.ge [sflag:s10], $0x400  }
0x12: {  	[sflag:s10] =	ssyncset.done $0x0  }
0x13: {  	[sflag:s10] =	ssyncadd.s32 $0xFFFFFC00  }
0x14: {  	s11 =	simm.s32 $0x80;
	s12 =	simm.s32 $0x2140;
	[bflag:$0x0] =	sbarrier.arrive $0xFFFF  }
0x15: {  	[tilespmem:s12], [sflag:$0x1] =	stream.indirect.gather [spmem:s2], $0x80, s8, s11, $0xb8;
	[tilespmem:$0x12140] =	vst v63  }
0x16: {  	s13 =	simm.s32 $0x1FC0;
	s14 =	simm.s32 $0x6140  }
0x17: {  	[tilespmem:s14], [sflag:$0x2] =	stream.indirect.gather [spmem:s2], $0x80, s13, s11, $0xb8;
	[tilespmem:$0x12140] =	vst v63  }
0x18: {  	s15 =	simm.s32 $0x2040;
	s16 =	simm.s32 $0xA140  }
0x19: {  	[tilespmem:s16], [sflag:$0x3] =	stream.indirect.gather [spmem:s2], $0x80, s15, s11, $0xb8;
	[tilespmem:$0x12140] =	vst v63  }
0x1a: {  	s17 =	simm.s32 $0x20C0;
	s18 =	simm.s32 $0xE140;
	s19 =	simm.s32 $0x1  }
0x1b: {  	[tilespmem:s18], [sflag:$0x4] =	stream.indirect.gather [spmem:s2], $0x80, s17, s11, $0xb8;
	[tilespmem:$0x12140] =	vst v63  }
0x1c: {  	s21 =	sshll.u32 s1, $0xE;
	s22 =	sshll.u32 s29, $0xD;
	_ =	swait.ge [sflag:s19], $0x4000  }
0x1d: {  	s21 =	sor.u32 s22, s21;
	[sflag:s19] =	ssyncset.done $0x0  }
0x1e: {  	s20 =	sadd.s32 s20, s21;
	s21 =	simm.s32 $0x2;
	[sflag:s19] =	ssyncadd.s32 $0xFFFFC000  }
0x1f: {  	[hbm4b:s20+s3] =	stream.linear.scatter [tilespmem:s12], [sflag:$0x5], $0x4000, $0x38;
	[tilespmem:$0x12140] =	vst v63  }
0x20: {  	_ =	swait.ge [sflag:s21], $0x4000  }
0x21: {  	[sflag:s21] =	ssyncset.done $0x0  }
0x22: {  	s23 =	simm.s32 $0x3;
	s22 =	sadd.s32 $0x800, s20;
	[sflag:s21] =	ssyncadd.s32 $0xFFFFC000  }
0x23: {  	[hbm4b:s22+s3] =	stream.linear.scatter [tilespmem:s14], [sflag:$0x5], $0x4000, $0x38;
	[tilespmem:$0x12140] =	vst v63  }
0x24: {  	_ =	swait.ge [sflag:s23], $0x4000  }
0x25: {  	[sflag:s23] =	ssyncset.done $0x0  }
0x26: {  	s25 =	simm.s32 $0x4;
	s24 =	sadd.s32 $0x1000, s20;
	[sflag:s23] =	ssyncadd.s32 $0xFFFFC000  }
0x27: {  	[hbm4b:s24+s3] =	stream.linear.scatter [tilespmem:s16], [sflag:$0x5], $0x4000, $0x38;
	[tilespmem:$0x12140] =	vst v63  }
0x28: {  	_ =	swait.ge [sflag:s25], $0x4000  }
0x29: {  	[sflag:s25] =	ssyncset.done $0x0  }
0x2a: {  	s28 =	simm.s32 $0x5;
	s26 =	sadd.s32 $0x1800, s20;
	[sflag:s25] =	ssyncadd.s32 $0xFFFFC000  }
0x2b: {  	[hbm4b:s26+s3] =	stream.linear.scatter [tilespmem:s18], [sflag:$0x5], $0x4000, $0x38;
	[tilespmem:$0x12140] =	vst v63  }
0x2c: {  	_ =	swait.ge [sflag:s28], $0x4000  }
0x2d: {  	s29 =	ssub.s32 $0x2, s29;
	[sflag:s28] =	ssyncset.done $0x0  }
0x2e: {  	s30 =	sshrl.u32 s29, $0x1;
	[sflag:s28] =	ssyncadd.s32 $0xFFFFC000  }
0x2f: {  	s29 =	ssub.s32 s29, s30;
	_ =	swait.ge [sflag:s28], $0x4000  }
0x30: {  	s29 =	smax.u32 s29, $0x1;
	[sflag:s28] =	ssyncset.done $0x0  }
0x31: {  	p0 =	sne.s32 s29, $0x1;
	[sflag:s28] =	ssyncadd.s32 $0xFFFFC000  }
.Ltmp0:
0x32: {  	_ =	swait.ge [sflag:s28], $0x4000;
	(pc) =	sbr.rel @!p0 .LBB2_2-.Ltmp0, $4  }
0x33: {  	[sflag:s28] =	ssyncset.done $0x0  }
0x34: {  	[sflag:s28] =	ssyncadd.s32 $0xFFFFC000  }
0x35: {  	_ =	swait.ge [sflag:s28], $0x4000  }
0x36: {  	s29 =	sadd.s32 $0xFFFFFFFF, s29;
	[sflag:s28] =	ssyncset.done $0x0  }
.LBB2_1:
0x37: {  	p0 =	sne.s32 s29, $0x1;
	s29 =	sadd.s32 $0xFFFFFFFF, s29;
	[sflag:s28] =	ssyncadd.s32 $0xFFFFC000  }
0x38: {  	[spmem:s7], [sflag:s5] =	dma.local [hbm:s4], $0x400  }
0x39: {  	[tilespmem:s8], [sflag:$0x7] =	stream.linear.gather [hbm4b:s6+s3], $0x200, $0x38;
	[tilespmem:$0x12140] =	vst v63  }
0x3a: {  	_ =	swait.ge [sflag:s9], $0x200  }
0x3b: {  	[sflag:s9] =	ssyncset.done $0x0  }
0x3c: {  	[sflag:s9] =	ssyncadd.s32 $0xFFFFFE00  }
0x3d: {  	_ =	swait.ge [sflag:s10], $0x400  }
0x3e: {  	[sflag:s10] =	ssyncset.done $0x0  }
0x3f: {  	[sflag:s10] =	ssyncadd.s32 $0xFFFFFC00  }
0x40: {  	[bflag:$0x0] =	sbarrier.arrive $0xFFFF  }
0x41: {  	[tilespmem:s12], [sflag:$0x1] =	stream.indirect.gather [spmem:s2], $0x80, s8, s11, $0xb8;
	[tilespmem:$0x12140] =	vst v63  }
0x42: {  	_ = 	snop  }
0x43: {  	[tilespmem:s14], [sflag:$0x2] =	stream.indirect.gather [spmem:s2], $0x80, s13, s11, $0xb8;
	[tilespmem:$0x12140] =	vst v63  }
0x44: {  	_ = 	snop  }
0x45: {  	[tilespmem:s16], [sflag:$0x3] =	stream.indirect.gather [spmem:s2], $0x80, s15, s11, $0xb8;
	[tilespmem:$0x12140] =	vst v63  }
0x46: {  	_ = 	snop  }
0x47: {  	[tilespmem:s18], [sflag:$0x4] =	stream.indirect.gather [spmem:s2], $0x80, s17, s11, $0xb8;
	[tilespmem:$0x12140] =	vst v63  }
0x48: {  	_ =	swait.ge [sflag:s19], $0x4000  }
0x49: {  	[sflag:s19] =	ssyncset.done $0x0  }
0x4a: {  	[sflag:s19] =	ssyncadd.s32 $0xFFFFC000  }
0x4b: {  	[hbm4b:s20+s3] =	stream.linear.scatter [tilespmem:s12], [sflag:$0x5], $0x4000, $0x38;
	[tilespmem:$0x12140] =	vst v63  }
0x4c: {  	_ =	swait.ge [sflag:s21], $0x4000  }
0x4d: {  	[sflag:s21] =	ssyncset.done $0x0  }
0x4e: {  	[sflag:s21] =	ssyncadd.s32 $0xFFFFC000  }
0x4f: {  	[hbm4b:s22+s3] =	stream.linear.scatter [tilespmem:s14], [sflag:$0x5], $0x4000, $0x38;
	[tilespmem:$0x12140] =	vst v63  }
0x50: {  	_ =	swait.ge [sflag:s23], $0x4000  }
0x51: {  	[sflag:s23] =	ssyncset.done $0x0  }
0x52: {  	[sflag:s23] =	ssyncadd.s32 $0xFFFFC000  }
0x53: {  	[hbm4b:s24+s3] =	stream.linear.scatter [tilespmem:s16], [sflag:$0x5], $0x4000, $0x38;
	[tilespmem:$0x12140] =	vst v63  }
0x54: {  	_ =	swait.ge [sflag:s25], $0x4000  }
0x55: {  	[sflag:s25] =	ssyncset.done $0x0  }
0x56: {  	[sflag:s25] =	ssyncadd.s32 $0xFFFFC000  }
0x57: {  	[hbm4b:s26+s3] =	stream.linear.scatter [tilespmem:s18], [sflag:$0x5], $0x4000, $0x38;
	[tilespmem:$0x12140] =	vst v63  }
0x58: {  	_ =	swait.ge [sflag:s28], $0x4000  }
0x59: {  	[sflag:s28] =	ssyncset.done $0x0  }
0x5a: {  	[sflag:s28] =	ssyncadd.s32 $0xFFFFC000  }
0x5b: {  	_ =	swait.ge [sflag:s28], $0x4000  }
0x5c: {  	[sflag:s28] =	ssyncset.done $0x0  }
0x5d: {  	[sflag:s28] =	ssyncadd.s32 $0xFFFFC000  }
.Ltmp1:
0x5e: {  	_ =	swait.ge [sflag:s28], $0x4000;
	(pc) =	sbr.rel @p0 .LBB2_1-.Ltmp1, $4  }
0x5f: {  	[sflag:s28] =	ssyncset.done $0x0  }
0x60: {  	[sflag:s28] =	ssyncadd.s32 $0xFFFFC000  }
0x61: {  	_ =	swait.ge [sflag:s28], $0x4000  }
0x62: {  	[sflag:s28] =	ssyncset.done $0x0  }
.LBB2_2:
0x63: {  	[sflag:s28] =	ssyncadd.s32 $0xFFFFC000  }
0x64: {  	_ =	sfence.sel $0x180000  }
0x65: {  	[bflag:$0x0] =	sbarrier.arrive $0xFFFF  }
0x66: {  	p0 =	sne.s32 s1, $0x0;
	_ =	strace $0x90000047  }
0x67: {  	s0 =	sadd.s32 @!p0 $0x100000, s0;
	[bflag:$0x2] =	sbarrier.arrive $0xFFFF  }
0x68: {  	[sflag:s0] =	ssyncadd.tile.s32 @!p0 $0x1;
	_ =	shalt  }
.Lfunc_end2:
_tile_overlayer_lowered:
.L_overlay_start_2:
0x69: {  	(tag) =	ssettag $0x2  }
0x6a: {  	s0 =	rddreg [dreg:$0x0];
	s2 =	stileid.u32  }
0x6b: {  	s1 =	rddreg [dreg:$0x1];
	p0 =	sne.s32 s2, $0x0  }
0x6c: {  	s3 =	rddreg [dreg:$0x2];
	[bflag:$0x3] =	sbarrier.arrive $0xFFFF;
	s2 =	simm.s32 @!p0 $0x1C07  }
0x6d: {  	[timem:s3], [sflag:s2] =	dma.local @!p0 [hbm:s0], s1  }
0x6e: {  	s0 =	simm.s32 @!p0 $0x7  }
0x6f: {  	_ =	swait.ge @!p0 [sflag:s0], s1  }
0x70: {  	s1 =	ssub.s32 @!p0 $0x0, s1;
	[sflag:s0] =	ssyncset.done @!p0 $0x0  }
0x71: {  	[sflag:s0] =	ssyncadd.s32 @!p0 s1  }
0x72: {  	[bflag:$0x3] =	sbarrier.arrive $0xFFFF  }
0x73: {  	_ =	shalt  }

</sc_bundles>
